<compile_context>
chip_gen: v7x
topology: tpu7x:2x2x1
jax: 0.10.2.dev20260603
libtpu: 0.0.44.dev20260713+nightly
codegen_flags: <defaults>
</compile_context>

<pallas_src>
import functools

import jax
import jax.numpy as jnp
from jax import lax
from jax.experimental import pallas as pl
from jax.experimental.pallas import tpu as pltpu
from jax.experimental.pallas import tpu_sc as plsc

N = 10000
E = 320000
D = 128

NUM_CORES = 2
NUM_SUBCORES = 16
SUB = 80
STAGE = 2 * SUB
NSTAGES = E // STAGE
NST = 62
ROWS_MAIN = 624
MM_BLOCK = 1000


def _mm_body(x_ref, w_ref, o_ref):
    o_ref[...] = lax.dot_general(
        x_ref[...], w_ref[...], (((1,), (1,)), ((), ())),
        preferred_element_type=jnp.float32)


def _matmul(seq, W):
    return pl.pallas_call(
        _mm_body,
        grid=(N // MM_BLOCK,),
        in_specs=[
            pl.BlockSpec((MM_BLOCK, D), lambda i: (i, 0)),
            pl.BlockSpec((D, D), lambda i: (0, 0)),
        ],
        out_specs=pl.BlockSpec((MM_BLOCK, D), lambda i: (i, 0)),
        out_shape=jax.ShapeDtypeStruct((N, D), jnp.float32),
    )(seq, W)


def _combine_body(a_ref, b_ref, o_ref):
    o_ref[...] = jnp.maximum(a_ref[...] + b_ref[...], 0.0)


def _combine(a, b):
    return pl.pallas_call(
        _combine_body,
        grid=(N // MM_BLOCK,),
        in_specs=[
            pl.BlockSpec((MM_BLOCK, D), lambda i: (i, 0)),
            pl.BlockSpec((MM_BLOCK, D), lambda i: (i, 0)),
        ],
        out_specs=pl.BlockSpec((MM_BLOCK, D), lambda i: (i, 0)),
        out_shape=jax.ShapeDtypeStruct((N, D), jnp.float32),
    )(a, b)


@functools.partial(
    pl.kernel,
    mesh=plsc.VectorSubcoreMesh(core_axis_name="c", subcore_axis_name="s"),
    out_type=jax.ShapeDtypeStruct((NUM_CORES, N, D), jnp.float32),
    scratch_types=[
        pltpu.VMEM((2, SUB), jnp.int32),
        pltpu.VMEM((2, SUB), jnp.int32),
        pltpu.VMEM((2, SUB), jnp.int32),
        pltpu.VMEM((2, SUB), jnp.int32),
        pltpu.VMEM((STAGE // 8, D), jnp.float32),
        pltpu.VMEM((STAGE // 8, D), jnp.float32),
        pltpu.VMEM((STAGE, D), jnp.float32),
        pltpu.VMEM((STAGE, D), jnp.float32),
        pltpu.VMEM_SHARED((N, D), jnp.float32),
        pltpu.SemaphoreType.DMA,
        pltpu.SemaphoreType.DMA,
        pltpu.SemaphoreType.DMA,
        pltpu.SemaphoreType.DMA,
        pltpu.SemaphoreType.DMA,
        pltpu.SemaphoreType.DMA,
        pltpu.SemaphoreType.DMA,
        pltpu.SemaphoreType.DMA,
        pltpu.SemaphoreType.DMA,
        pltpu.SemaphoreType.DMA,
    ],
)
def _spmm_sc(h_hbm, col_hbm, row_hbm, w_hbm, part_hbm,
             col_a, col_b, row_a, row_b, w_a, w_b, msg_a, msg_b, acc,
             sem_c0, sem_c1, sem_r0, sem_r1, sem_w0, sem_w1,
             sem_g0, sem_g1, sem_s0, sem_s1):
    cols = (col_a, col_b)
    rows = (row_a, row_b)
    ws = (w_a, w_b)
    msgs = (msg_a, msg_b)
    c = lax.axis_index("c")
    s = lax.axis_index("s")
    wid = c * NUM_SUBCORES + s
    sems_c = (sem_c0, sem_c1)
    sems_r = (sem_r0, sem_r1)
    sems_w = (sem_w0, sem_w1)
    sems_g = (sem_g0, sem_g1)
    sems_s = (sem_s0, sem_s1)

    pair = wid // 2
    within = wid % 2
    gbase = pair * 125 + within * 63

    def drain_idx(dst, sem):
        pass

    def drain_w(slot):
        pass

    def drain_g(slot):
        pass

    def drain_s(slot):
        pass

    def fire_gathers(g_unused, slot):
        pass

    def fire_scatters(slot):
        pass

    def scale(slot):
        pass

    zero16 = jnp.zeros((16,), jnp.float32)

    def _zero_row(k, carry):
        for j in range(D // 16):
            msg_a[k, pl.ds(j * 16, 16)] = zero16
        return carry

    lax.fori_loop(0, STAGE, _zero_row, 0)
    r0 = s * ROWS_MAIN
    copy_sizes = (STAGE, STAGE, STAGE, 144)
    copy_sizes_last = (STAGE, STAGE, STAGE, STAGE)

    @pl.when(s == NUM_SUBCORES - 1)
    def _():
        off = 0
        for sz in copy_sizes_last:
            pltpu.sync_copy(msg_a.at[pl.ds(0, sz)],
                            acc.at[pl.ds(r0 + off, sz)])
            off += sz

    @pl.when(s != NUM_SUBCORES - 1)
    def _():
        off = 0
        for sz in copy_sizes:
            pltpu.sync_copy(msg_a.at[pl.ds(0, sz)],
                            acc.at[pl.ds(r0 + off, sz)])
            off += sz

    plsc.subcore_barrier()

    pass
    pass
    pass
    pass
    pass
    drain_idx(col_a, sem_c0)
    fire_gathers(gbase, 0)

    def _iter(t2, carry):
        for parity in range(2):
            p = parity
            q = 1 - p
            t = 2 * t2 + parity
            g = gbase + t

            def _fut1_ops():
                drain_idx(cols[q], sems_c[q])
                pass
                fire_gathers(g + 1, q)

            def _fut2_fire_col():
                pass

            def _fut2_fire_w():
                pass

            if parity == 0:
                @pl.when(t2 > 0)
                def _():
                    drain_s(q)
                _fut1_ops()
            else:
                drain_s(q)

                @pl.when(t2 < 30)
                def _():
                    _fut1_ops()

            drain_g(p)

            @pl.when(t2 < 30)
            def _():
                _fut2_fire_col()

            drain_w(p)
            scale(p)
            drain_idx(rows[p], sems_r[p])
            fire_scatters(p)

            @pl.when(t2 < 30)
            def _():
                _fut2_fire_w()
        return carry

    lax.fori_loop(0, NST // 2, _iter, 0)

    drain_s(1)

    @pl.when(within == 0)
    def _():
        g = gbase + NST
        pltpu.sync_copy(col_hbm.at[g], col_a)
        pltpu.sync_copy(row_hbm.at[g], row_a)
        pltpu.sync_copy(w_hbm.at[g], w_a)
        fire_gathers(g, 0)
        drain_g(0)
        scale(0)
        for j in range(2):
            pltpu.sync_copy(msg_a.at[pl.ds(j * SUB, SUB)],
                            acc.at[row_a.at[j]], add=True)

    plsc.subcore_barrier()

    @pl.when(s == NUM_SUBCORES - 1)
    def _():
        off = 0
        for sz in copy_sizes_last:
            pltpu.sync_copy(acc.at[pl.ds(r0 + off, sz)],
                            msg_a.at[pl.ds(0, sz)])
            pltpu.sync_copy(msg_a.at[pl.ds(0, sz)],
                            part_hbm.at[c, pl.ds(r0 + off, sz)])
            off += sz

    @pl.when(s != NUM_SUBCORES - 1)
    def _():
        off = 0
        for sz in copy_sizes:
            pltpu.sync_copy(acc.at[pl.ds(r0 + off, sz)],
                            msg_a.at[pl.ds(0, sz)])
            pltpu.sync_copy(msg_a.at[pl.ds(0, sz)],
                            part_hbm.at[c, pl.ds(r0 + off, sz)])
            off += sz


@functools.partial(
    pl.kernel,
    mesh=plsc.VectorSubcoreMesh(core_axis_name="c", subcore_axis_name="s"),
    out_type=jax.ShapeDtypeStruct((NUM_CORES, N, D), jnp.float32),
    scratch_types=[pltpu.VMEM((8, D), jnp.float32),
                   pltpu.VMEM_SHARED((N, D), jnp.float32)] +
                  [pltpu.SemaphoreType.DMA] * 10,
)
def _mini_sc(a_hbm, col_hbm, row_hbm, out_hbm, buf, accx, *sems):
    c = lax.axis_index("c")
    s = lax.axis_index("s")

    @pl.when(s == 0)
    def _():
        pltpu.sync_copy(buf, out_hbm.at[c, pl.ds(0, 8)])


def kernel(seq, edge_index, edge_weight, W):
    col = edge_index[1].astype(jnp.int32).reshape(NSTAGES, 2, SUB)
    row = edge_index[0].astype(jnp.int32).reshape(NSTAGES, 2, SUB)
    h = _matmul(seq, W)
    part = _mini_sc(h, col, row)
    return _combine(part[0], part[1])

# --- scband reference (transcript-rebuilt; emitter-appended) ---
"""Pipeline reference for scband-graph-conv-15401752724058 (READ-ONLY COPY).

The authoritative reference and input builder live on the scoring server;
editing this copy changes nothing except your own understanding.
"""

import jax, jax.numpy as jnp
import numpy as np

N = 10000
E = 320000
D_IN = 128
D_OUT = 128

def setup_inputs(seed: int = 0) -> dict:
    key = jax.random.key(seed)
    k1, k2, k3, k4 = jax.random.split(key, 4)
    seq = jax.random.normal(k1, (N, D_IN), dtype=jnp.float32)
    edge_index = jax.random.randint(k2, (2, E), 0, N, dtype=jnp.int64)
    edge_weight = jax.random.uniform(k3, (E,), dtype=jnp.float32)
    # fc weight, xavier-normal-ish init; Linear(in_dim, out_dim, bias=False) -> W: [out, in]
    W = jax.random.normal(k4, (D_OUT, D_IN), dtype=jnp.float32) * (1.414 * np.sqrt(2.0 / (D_IN + D_OUT)))
    return {"seq": seq, "edge_index": edge_index, "edge_weight": edge_weight, "W": W}

def reference(seq, edge_index, edge_weight, W):
    # seq = self.fc(seq)
    h = seq @ W.T
    # out = torch.spmm(adj, seq): adj given in COO form (edge_index row=dst-of-product rows? spmm(adj, h)[i] = sum_j adj[i,j] * h[j])
    # edge_index[0] = row (output node i), edge_index[1] = col (source node j)
    row = edge_index[0]
    col = edge_index[1]
    msg = h[col] * edge_weight[:, None]
    out = jax.ops.segment_sum(msg, row, num_segments=seq.shape[0])
    # bias=False, so skip bias add
    out = jax.nn.relu(out)
    return out

if __name__ == "__main__":
    import jax
    _d = setup_inputs()
    print(jax.jit(kernel)(*tuple(_d.values())))

</pallas_src>

<mosaic_0001>
#map = affine_map<(d0, d1) -> (0, 0)>
#map1 = affine_map<(d0, d1) -> (0, 0, 0)>
module attributes {stable_mosaic.version = 14 : i64} {
  func.func @_mini_sc(%arg0: i32, %arg1: i32, %arg2: memref<10000x128xf32, #tpu.memory_space<hbm>>, %arg3: memref<2000x2x80xi32, #tpu.memory_space<hbm>>, %arg4: memref<2000x2x80xi32, #tpu.memory_space<hbm>>, %arg5: memref<2x10000x128xf32, #tpu.memory_space<hbm>>, %arg6: memref<8x128xf32, #tpu.memory_space<vmem>>, %arg7: memref<10000x128xf32, #tpu.memory_space<vmem_shared>>, %arg8: memref<!tpu.dma_semaphore, #tpu.memory_space<semaphore_mem>>, %arg9: memref<!tpu.dma_semaphore, #tpu.memory_space<semaphore_mem>>, %arg10: memref<!tpu.dma_semaphore, #tpu.memory_space<semaphore_mem>>, %arg11: memref<!tpu.dma_semaphore, #tpu.memory_space<semaphore_mem>>, %arg12: memref<!tpu.dma_semaphore, #tpu.memory_space<semaphore_mem>>, %arg13: memref<!tpu.dma_semaphore, #tpu.memory_space<semaphore_mem>>, %arg14: memref<!tpu.dma_semaphore, #tpu.memory_space<semaphore_mem>>, %arg15: memref<!tpu.dma_semaphore, #tpu.memory_space<semaphore_mem>>, %arg16: memref<!tpu.dma_semaphore, #tpu.memory_space<semaphore_mem>>, %arg17: memref<!tpu.dma_semaphore, #tpu.memory_space<semaphore_mem>>) attributes {dimension_semantics = [#tpu.dimension_semantics<core_parallel>, #tpu.dimension_semantics<subcore_parallel>], iteration_bounds = array<i64: 2, 16>, scalar_prefetch = 0 : i64, scratch_operands = 12 : i64, tpu.core_type = #tpu.core_type<sc_vector_subcore>, window_params = [{transform_indices = #map}, {transform_indices = #map1}, {transform_indices = #map1}, {transform_indices = #map1}]} {
    %eq3A = arith.constant 0 : i32
    %eq3A_0 = arith.cmpi eq, %arg1, %eq3A : i32
    %convert_element_type3A = arith.extui %eq3A_0 : i1 to i32
    %cond3A = arith.constant 0 : i32
    %cond3A_1 = arith.cmpi ne, %convert_element_type3A, %cond3A : i32
    scf.if %cond3A_1 {
      "tpu.region"() ({
        %run_scoped3A = tpu.sem_alloc : memref<!tpu.dma_semaphore, #tpu.memory_space<semaphore_mem>>
        %dma_start3A = arith.constant 0 : i32
        %dma_start3A_2 = arith.constant 0 : i32
        %dma_start3A_3 = tpu.memref_slice %arg5[%arg0, %dma_start3A, %dma_start3A_2] : memref<2x10000x128xf32, #tpu.memory_space<hbm>> -> memref<1x8x128xf32, #tpu.memory_space<hbm>>
        %dma_start3A_4 = tpu.memref_squeeze %dma_start3A_3 : memref<1x8x128xf32, #tpu.memory_space<hbm>> -> memref<8x128xf32, #tpu.memory_space<hbm>>
        %dma_start3A_5 = arith.constant 0 : i32
        %dma_start3A_6 = arith.constant 0 : i32
        %dma_start3A_7 = tpu.memref_slice %arg5[%arg0, %dma_start3A_5, %dma_start3A_6] : memref<2x10000x128xf32, #tpu.memory_space<hbm>> -> memref<1x8x128xf32, #tpu.memory_space<hbm>>
        %dma_start3A_8 = tpu.memref_squeeze %dma_start3A_7 : memref<1x8x128xf32, #tpu.memory_space<hbm>> -> memref<8x128xf32, #tpu.memory_space<hbm>>
        tpu.enqueue_dma source(%arg6 : memref<8x128xf32, #tpu.memory_space<vmem>>) target(%dma_start3A_8 : memref<8x128xf32, #tpu.memory_space<hbm>>) target_semaphore(%run_scoped3A : memref<!tpu.dma_semaphore, #tpu.memory_space<semaphore_mem>>)
        %dma_wait3A = arith.constant 0 : i32
        %dma_wait3A_9 = arith.constant 0 : i32
        %dma_wait3A_10 = tpu.memref_slice %arg5[%arg0, %dma_wait3A, %dma_wait3A_9] : memref<2x10000x128xf32, #tpu.memory_space<hbm>> -> memref<1x8x128xf32, #tpu.memory_space<hbm>>
        %dma_wait3A_11 = tpu.memref_squeeze %dma_wait3A_10 : memref<1x8x128xf32, #tpu.memory_space<hbm>> -> memref<8x128xf32, #tpu.memory_space<hbm>>
        %dma_wait3A_12 = arith.constant 0 : i32
        %dma_wait3A_13 = arith.constant 0 : i32
        %dma_wait3A_14 = tpu.memref_slice %arg5[%arg0, %dma_wait3A_12, %dma_wait3A_13] : memref<2x10000x128xf32, #tpu.memory_space<hbm>> -> memref<1x8x128xf32, #tpu.memory_space<hbm>>
        %dma_wait3A_15 = tpu.memref_squeeze %dma_wait3A_14 : memref<1x8x128xf32, #tpu.memory_space<hbm>> -> memref<8x128xf32, #tpu.memory_space<hbm>>
        tpu.wait_dma2 semaphore(%run_scoped3A : memref<!tpu.dma_semaphore, #tpu.memory_space<semaphore_mem>>) src(%arg6 : memref<8x128xf32, #tpu.memory_space<vmem>>) dst(%dma_wait3A_15 : memref<8x128xf32, #tpu.memory_space<hbm>>)
        tpu.yield
      }) : () -> ()
    } else {
    }
    return
  }
}

module attributes {stable_mosaic.version = 14 : i64} {
  func.func @_mm_body(%arg0: i32, %arg1: memref<1000x128xf32, #tpu.memory_space<vmem>>, %arg2: memref<128x128xf32, #tpu.memory_space<vmem>>, %arg3: memref<1000x128xf32, #tpu.memory_space<vmem>>) attributes {dimension_semantics = [#tpu.dimension_semantics<arbitrary>], iteration_bounds = array<i64: 10>, scalar_prefetch = 0 : i64, scratch_operands = 0 : i64, tpu.core_type = #tpu.core_type<tc>, window_params = [{transform_indices = @transform_0, window_bounds = array<i64: 1000, 128>}, {pipeline_mode = #tpu.pipeline_mode<synchronous>, transform_indices = @transform_1, window_bounds = array<i64: 128, 128>}, {transform_indices = @transform_2, window_bounds = array<i64: 1000, 128>}]} {
    %get3A = arith.constant 0 : index
    %get3A_0 = arith.constant 0 : index
    %get3A_1 = vector.load %arg1[%get3A, %get3A_0] : memref<1000x128xf32, #tpu.memory_space<vmem>>, vector<1000x128xf32>
    %get3A_2 = arith.constant 0 : index
    %get3A_3 = arith.constant 0 : index
    %get3A_4 = vector.load %arg2[%get3A_2, %get3A_3] : memref<128x128xf32, #tpu.memory_space<vmem>>, vector<128x128xf32>
    %dot_general3A = arith.constant dense<0.000000e+00> : vector<1000x128xf32>
    %dot_general3A_5 = tpu.matmul %get3A_1, %get3A_4, %dot_general3A {dimension_numbers = #tpu.dot_dimension_numbers<[1], [1], [0], [0], [0, 0, 1, 0], [], []>, transpose_lhs_hint = false} : vector<1000x128xf32>, vector<128x128xf32>, vector<1000x128xf32> -> vector<1000x128xf32>
    %swap3A = arith.constant 0 : index
    %swap3A_6 = arith.constant 0 : index
    %swap3A_7 = vector.load %arg3[%swap3A, %swap3A_6] : memref<1000x128xf32, #tpu.memory_space<vmem>>, vector<1000x128xf32>
    tpu.vector_store %arg3[%swap3A, %swap3A_6], %dot_general3A_5 {strides = array<i32>} : memref<1000x128xf32, #tpu.memory_space<vmem>>, vector<1000x128xf32>,
    return
  }
  func.func @transform_0(%arg0: i32) -> (i32, i32) {
    %c0_i32 = arith.constant 0 : i32
    %c0_i32_0 = arith.constant 0 : i32
    return %arg0, %c0_i32 : i32, i32
  }
  func.func @transform_1(%arg0: i32) -> (i32, i32) {
    %c0_i32 = arith.constant 0 : i32
    %c0_i32_0 = arith.constant 0 : i32
    %c0_i32_1 = arith.constant 0 : i32
    return %c0_i32, %c0_i32_0 : i32, i32
  }
  func.func @transform_2(%arg0: i32) -> (i32, i32) {
    %c0_i32 = arith.constant 0 : i32
    %c0_i32_0 = arith.constant 0 : i32
    return %arg0, %c0_i32 : i32, i32
  }
}

module attributes {stable_mosaic.version = 14 : i64} {
  func.func @_combine_body(%arg0: i32, %arg1: memref<1000x128xf32, #tpu.memory_space<vmem>>, %arg2: memref<1000x128xf32, #tpu.memory_space<vmem>>, %arg3: memref<1000x128xf32, #tpu.memory_space<vmem>>) attributes {dimension_semantics = [#tpu.dimension_semantics<arbitrary>], iteration_bounds = array<i64: 10>, scalar_prefetch = 0 : i64, scratch_operands = 0 : i64, tpu.core_type = #tpu.core_type<tc>, window_params = [{transform_indices = @transform_0, window_bounds = array<i64: 1000, 128>}, {transform_indices = @transform_1, window_bounds = array<i64: 1000, 128>}, {transform_indices = @transform_2, window_bounds = array<i64: 1000, 128>}]} {
    %get3A = arith.constant 0 : index
    %get3A_0 = arith.constant 0 : index
    %get3A_1 = vector.load %arg1[%get3A, %get3A_0] : memref<1000x128xf32, #tpu.memory_space<vmem>>, vector<1000x128xf32>
    %get3A_2 = arith.constant 0 : index
    %get3A_3 = arith.constant 0 : index
    %get3A_4 = vector.load %arg2[%get3A_2, %get3A_3] : memref<1000x128xf32, #tpu.memory_space<vmem>>, vector<1000x128xf32>
    %add3A = arith.addf %get3A_1, %get3A_4 : vector<1000x128xf32>
    %max3A = arith.constant 0.000000e+00 : f32
    %max3A_5 = vector.broadcast %max3A : f32 to vector<1000x128xf32>
    %max3A_6 = arith.maximumf %add3A, %max3A_5 : vector<1000x128xf32>
    %swap3A = arith.constant 0 : index
    %swap3A_7 = arith.constant 0 : index
    %swap3A_8 = vector.load %arg3[%swap3A, %swap3A_7] : memref<1000x128xf32, #tpu.memory_space<vmem>>, vector<1000x128xf32>
    tpu.vector_store %arg3[%swap3A, %swap3A_7], %max3A_6 {strides = array<i32>} : memref<1000x128xf32, #tpu.memory_space<vmem>>, vector<1000x128xf32>,
    return
  }
  func.func @transform_0(%arg0: i32) -> (i32, i32) {
    %c0_i32 = arith.constant 0 : i32
    %c0_i32_0 = arith.constant 0 : i32
    return %arg0, %c0_i32 : i32, i32
  }
  func.func @transform_1(%arg0: i32) -> (i32, i32) {
    %c0_i32 = arith.constant 0 : i32
    %c0_i32_0 = arith.constant 0 : i32
    return %arg0, %c0_i32 : i32, i32
  }
  func.func @transform_2(%arg0: i32) -> (i32, i32) {
    %c0_i32 = arith.constant 0 : i32
    %c0_i32_0 = arith.constant 0 : i32
    return %arg0, %c0_i32 : i32, i32
  }
}

</mosaic_0001>

<sc_bundles>
// kernel: kernel.5.cloned.1.call-start
scs
__scs_entry_jumppad:
0x0: {  	(pc) =	sbr.rel $0x88, $3  }
0x1: {  	(tag) =	ssettag $0x0;
	lr =	simm.s32 $0x1  }
0x2: {  	[smem:$0x3F9E] =	sst lr;
	_ =	strace $0xD0000000  }
0x3: {  	_ = 	snop  }
0x4: {  	_ = 	snop  }
0x5: {  	_ = 	snop  }
0x6: {  	_ = 	snop  }
0x7: {  	_ = 	snop  }
__scs_overlays_trampoline_lowered:
0x8: {  	[smem:$0x3FAD] =	sst s0  }
0x9: {  	[smem:$0x3FAE] =	sst s1  }
0xa: {  	[smem:$0x3FAF] =	sst s2  }
0xb: {  	[smem:$0x3FB0] =	sst s3  }
0xc: {  	[smem:$0x3FB1] =	sst s4  }
0xd: {  	[smem:$0x3FB2] =	sst s5  }
0xe: {  	[smem:$0x3FB3] =	sst s6  }
0xf: {  	[smem:$0x3FB4] =	sst s7  }
0x10: {  	[smem:$0x3FB5] =	sst s8  }
0x11: {  	[smem:$0x3FB6] =	sst s9;
	s0 =	simm.s32 @!p0 $0x0  }
0x12: {  	s1 =	sld [smem:$0x3F9C];
	s0 =	simm.s32 @p0 $0x1  }
0x13: {  	[smem:$0x3FB7] =	sst s0;
	s0 =	simm.s32 @!p1 $0x0  }
0x14: {  	s2 =	sld [smem:$0x3F9B];
	s0 =	simm.s32 @p1 $0x1  }
0x15: {  	[smem:$0x3FB8] =	sst s0;
	s0 =	simm.s32 @!p2 $0x0  }
0x16: {  	s3 =	sld [smem:$0x3FDB];
	s0 =	simm.s32 @p2 $0x1  }
0x17: {  	s4 =	simm.s32 $0x1BF5;
	[smem:$0x3FBA] =	sst s0  }
0x18: {  	s0 =	sld [smem:$0x3F9D];
	_ =	swait.ge [sflag:s4], $0x0  }
0x19: {  	s7 =	sld [smem:$0x3F9E]  }
0x1a: {  	s8 =	sadd.s32 $0xFFFFE003, lr  }
0x1b: {  	s9 =	sadd.s32 $0xFFFFFEF7, lr;
	s5 =	simm.s32 $0xFFFFFFFF;
	p2 =	slt.u32 s8, $0xFFFFF086  }
0x1c: {  	p1 =	slt.u32 s9, $0xF7A;
	s5 =	simm.s32 @!p2 $0x0  }
0x1d: {  	s5 =	simm.s32 @p1 $0x1;
	p0 =	seq.s32 s7, s2  }
0x1e: {  	s7 =	smul.u32 @!p0 $0xF7A, s2;
	p2 =	seq.s32 @!p0 s5, $0x0  }
0x1f: {  	s9 =	smul.u32 $0xF7A, s1;
	s8 =	simm.s32 @!p0 $0x1BF5;
	p2 =	por !p2, p0  }
0x20: {  	[sflag:s8] =	ssyncset.s32 @!p0 $0xFFFFF086;
	s6 =	sadd.s32 @!p0 s3, s7;
	s7 =	simm.s32 @!p0 $0x108  }
0x21: {  	s3 =	sadd.s32 s3, s9;
	s6 =	sadd.s32 @!p0 $0x88, s6;
	s7 =	simm.s32 @p2 $0x1082  }
0x22: {  	[simem:s7], [sflag:s8] =	dma.local @!p0 [hbm:s6], $0xF7A  }
0x23: {  	s9 =	sor.u32 $0xD0000000, s2;
	s6 =	simm.s32 $0x108;
	_ =	swait.ge @!p0 [sflag:s8], $0x0  }
0x24: {  	s3 =	sadd.s32 $0x88, s3;
	s6 =	simm.s32 @!p1 $0x1082;
	[sflag:s4] =	ssyncset.s32 $0xFFFFF086  }
0x25: {  	[simem:s6], [sflag:s4] =	dma.local [hbm:s3], $0xF7A  }
0x26: {  	[smem:$0x3F9E] =	sst s1;
	(tag) =	ssettag s2;
	_ =	strace s9  }
0x27: {  	s1 =	sld [smem:$0x3FAE]  }
0x28: {  	s2 =	sld [smem:$0x3FAF]  }
0x29: {  	s4 =	sld [smem:$0x3FB1]  }
0x2a: {  	p0 =	seq.s32 s5, $0x0;
	s5 =	sld [smem:$0x3FB2]  }
0x2b: {  	s6 =	sld [smem:$0x3FB3]  }
0x2c: {  	s7 =	sld [smem:$0x3FB4]  }
0x2d: {  	s3 =	simm.s32 $0x108;
	s8 =	sld [smem:$0x3FB5]  }
0x2e: {  	s3 =	simm.s32 @!p0 $0x1082;
	s9 =	sld [smem:$0x3FB6]  }
0x2f: {  	lr =	sadd.s32 s0, s3;
	s0 =	sld [smem:$0x3FAD]  }
0x30: {  	s3 =	sld [smem:$0x3FB0]  }
0x31: {  	[smem:$0x3FB9] =	sst s10  }
0x32: {  	s10 =	sld [smem:$0x3FB7];
	_ =	sdelay $0x3  }
0x33: {  	p0 =	seq.s32 s10, $0x1;
	s10 =	sld [smem:$0x3FB9];
	_ =	sdelay $0x3  }
0x34: {  	[smem:$0x3FB9] =	sst s10  }
0x35: {  	s10 =	sld [smem:$0x3FB8];
	_ =	sdelay $0x3  }
0x36: {  	p1 =	seq.s32 s10, $0x1;
	s10 =	sld [smem:$0x3FB9];
	_ =	sdelay $0x3  }
0x37: {  	[smem:$0x3FB9] =	sst s10  }
0x38: {  	s10 =	sld [smem:$0x3FBA]  }
0x39: {  	_ = 	snop;
	(pc) =	sbr.ind lr, $3  }
0x3a: {  	_ = 	snop  }
0x3b: {  	_ = 	snop  }
0x3c: {  	p2 =	seq.s32 s10, $0x1;
	s10 =	sld [smem:$0x3FB9]  }
0x3d: {  	_ =	shalt  }
0x3e: {  	_ =	shalt  }
0x3f: {  	_ =	shalt  }
0x40: {  	_ =	shalt  }
0x41: {  	_ =	shalt  }
0x42: {  	_ =	shalt  }
0x43: {  	_ =	shalt  }
0x44: {  	_ =	shalt  }
0x45: {  	_ =	shalt  }
0x46: {  	_ =	shalt  }
0x47: {  	_ =	shalt  }
0x48: {  	_ =	shalt  }
0x49: {  	_ =	shalt  }
0x4a: {  	_ =	shalt  }
0x4b: {  	_ =	shalt  }
0x4c: {  	_ =	shalt  }
0x4d: {  	_ =	shalt  }
0x4e: {  	_ =	shalt  }
0x4f: {  	_ =	shalt  }
0x50: {  	_ =	shalt  }
0x51: {  	_ =	shalt  }
0x52: {  	_ =	shalt  }
0x53: {  	_ =	shalt  }
0x54: {  	_ =	shalt  }
0x55: {  	_ =	shalt  }
0x56: {  	_ =	shalt  }
0x57: {  	_ =	shalt  }
0x58: {  	_ =	shalt  }
0x59: {  	_ =	shalt  }
0x5a: {  	_ =	shalt  }
0x5b: {  	_ =	shalt  }
0x5c: {  	_ =	shalt  }
0x5d: {  	_ =	shalt  }
0x5e: {  	_ =	shalt  }
0x5f: {  	_ =	shalt  }
0x60: {  	_ =	shalt  }
0x61: {  	_ =	shalt  }
0x62: {  	_ =	shalt  }
0x63: {  	_ =	shalt  }
0x64: {  	_ =	shalt  }
0x65: {  	_ =	shalt  }
0x66: {  	_ =	shalt  }
0x67: {  	_ =	shalt  }
0x68: {  	_ =	shalt  }
0x69: {  	_ =	shalt  }
0x6a: {  	_ =	shalt  }
0x6b: {  	_ =	shalt  }
0x6c: {  	_ =	shalt  }
0x6d: {  	_ =	shalt  }
0x6e: {  	_ =	shalt  }
0x6f: {  	_ =	shalt  }
0x70: {  	_ =	shalt  }
0x71: {  	_ =	shalt  }
0x72: {  	_ =	shalt  }
0x73: {  	_ =	shalt  }
0x74: {  	_ =	shalt  }
0x75: {  	_ =	shalt  }
0x76: {  	_ =	shalt  }
0x77: {  	_ =	shalt  }
0x78: {  	_ =	shalt  }
0x79: {  	_ =	shalt  }
0x7a: {  	_ =	shalt  }
0x7b: {  	_ =	shalt  }
0x7c: {  	_ =	shalt  }
0x7d: {  	_ =	shalt  }
0x7e: {  	_ =	shalt  }
0x7f: {  	_ =	shalt  }
0x80: {  	_ =	shalt  }
0x81: {  	_ =	shalt  }
0x82: {  	_ =	shalt  }
0x83: {  	_ =	shalt  }
0x84: {  	_ =	shalt  }
0x85: {  	_ =	shalt  }
0x86: {  	_ =	shalt  }
0x87: {  	_ =	shalt  }
.Lfunc_end0:
.L_simem_size_0:
called_computation_lowered:
.L_overlay_start_0:
0x88: {  	s2 =	sld [smem:$0x3FD9]  }
0x89: {  	s3 =	sld [smem:$0x3FFE];
	_ =	sdelay $0x1  }
0x8a: {  	s1 =	srdreg.scid  }
0x8b: {  	s0 =	sand.u32 $0x1, s1  }
0x8c: {  	s16 =	sshll.u32 s0, $0xA;
	s2 =	sadd.s32 s3, s2  }
0x8d: {  	s2 =	sadd.s32 s2, s16  }
0x8e: {  	[smem:$0x3FC5] =	sst s2  }
0x8f: {  	_ = 	snop  }
0x90: {  	(tm) =	ssettm $0x1  }
0x91: {  	s17 =	sld [smem:$0x3FFB];
	_ =	sdelay $0x3  }
0x92: {  	_ =	strace s17  }
0x93: {  	s2 =	sld [smem:$0x3FFC];
	_ =	sdelay $0x3  }
0x94: {  	_ =	strace s2  }
0x95: {  	s2 =	sld [smem:$0x3FFD];
	_ =	sdelay $0x3  }
0x96: {  	_ =	strace s2  }
0x97: {  	_ =	strace $0x8FFFFFFF  }
0x98: {  	s18 =	sld [smem:$0x3FDB];
	_ =	sdelay $0x1  }
0x99: {  	s19 =	simm.s32 $_scs_section_size  }
0x9a: {  	s4 =	simm.s32 $_size__tile_overlayer_lowered;
	s5 =	simm.s32 $_tile_overlayer_lowered  }
0x9b: {  	s22 =	simm.s32 $0x1BFF;
	s21 =	sshll.u32 s5, $0x1;
	s2 =	sadd.s32 s19, s18  }
0x9c: {  	s6 =	simm.s32 $0x0;
	s20 =	sshll.u32 s4, $0x1;
	s4 =	sadd.s32 s21, s2  }
0x9d: {  	[timem:s6], [sflag:s22] =	dma.local [hbm:s4], s20  }
0x9e: {  	_ =	swait.ge [sflag:s22], s20  }
0x9f: {  	s3 =	ssub.s32 $0x0, s20;
	[sflag:s22] =	ssyncset.done $0x0  }
0xa0: {  	[sflag:s22] =	ssyncadd.s32 s3;
	_ =	sdelay $0x1  }
0xa1: {  	s23 =	simm.s32 $0x1B8B  }
0xa2: {  	_ =	swait.ge [sflag:s23], $0x1  }
0xa3: {  	[sflag:s23] =	ssyncset.done $0x0  }
0xa4: {  	s25 =	simm.s32 $0x1B8E;
	s24 =	sld [smem:$0x3FFE];
	[sflag:s23] =	ssyncadd.s32 $0xFFFFFFFF  }
0xa5: {  	s26 =	simm.s32 $execute0_lowered;
	[smem:$0x3FD2] =	sst s25  }
0xa6: {  	s4 =	sshll.u32 s26, $0x1;
	_ =	strace $0x80000046;
	[dreg:$0x1] =	wrdreg $0xFFFFFFFF  }
0xa7: {  	s28 =	simm.s32 $_size_execute0_lowered;
	s2 =	sadd.s32 s2, s4;
	[dreg:$0x0] =	wrdreg $0x0  }
0xa8: {  	s4 =	sshll.u32 s28, $0x1;
	[dreg:$0x2] =	wrdreg s2  }
0xa9: {  	[dreg:$0x3] =	wrdreg s4  }
0xaa: {  	[dreg:$0x4] =	wrdreg $0xC0  }
0xab: {  	_ =	task [dreg:s6], $0x5FFFF  }
0xac: {  	[dreg:$0x1] =	wrdreg $0xFFFFFFFF  }
0xad: {  	[dreg:$0x0] =	wrdreg $0x60  }
0xae: {  	[dreg:$0x2] =	wrdreg s24  }
0xaf: {  	[dreg:$0x3] =	wrdreg $0x9  }
0xb0: {  	_ =	task.clear_ibuf [dreg:s6], $0x4FFFF;
	_ =	strace $0x90000046  }
0xb1: {  	s29 =	simm.s32 $0x9;
	_ =	strace $0x80000048  }
0xb2: {  	_ =	swait.ge [sflag:s29], $0x1  }
0xb3: {  	[sflag:s29] =	ssyncadd.s32 $0xFFFFFFFF  }
0xb4: {  	_ =	strace $0x90000048  }
0xb5: {  	_ =	sfence  }
0xb6: {  	s30 =	sld [smem:$0x0];
	_ =	sdelay $0x2  }
0xb7: {  	s31 =	sshll.u32 s1, $0xD;
	s1 =	sshrl.u32 s1, $0x2  }
0xb8: {  	s3 =	sand.u32 $0x4000, s31;
	s1 =	sadd.s32 s1, s30  }
0xb9: {  	s0 =	sor.u32 s3, s0;
	s1 =	sshll.u32 s1, $0x11  }
0xba: {  	s0 =	sor.u32 s1, s0  }
0xbb: {  	s0 =	sadd.s32 $0x8F2B, s0  }
0xbc: {  	[sflag:s0] =	ssyncadd.remote.s32 $0x1  }
0xbd: {  	_ =	sfence.sel $0xFFFF  }
0xbe: {  	[dreg:$0x0] =	wrdreg $0xFFFFFFFF;
	(pc) =	sbr.abs _section_cstart, $3  }
0xbf: {  	[dreg:$0x1] =	wrdreg $0xFFFFFFFF  }
0xc0: {  	_ =	task.clear_ibuf [dreg:s6], $0x2FFFF;
	_ =	strace $0x9FFFFFFF  }
0xc1: {  	(tm) =	ssettm $0x7FFFFFFF  }
tec
execute0_lowered:
.L_overlay_start_1:
0x0: {  	(tag) =	ssettag $0x1  }
0x1: {  	s3 =	stileid.u32  }
0x2: {  	p0 =	sne.s32 s3, $0x0  }
.Ltmp0:
0x3: {  	_ = 	snop;
	(pc) =	sbr.rel @p0 .LBB2_4-.Ltmp0, $4  }
0x4: {  	_ = 	snop  }
0x5: {  	s2 =	rddreg [dreg:$0x0];
	s1 =	simm.s32 $0x0  }
0x6: {  	[smem:$0x7FF] =	sst s1  }
0x7: {  	s0 =	rddreg [dreg:$0x1];
	_ =	strace $0x80000047  }
0x8: {  	s3 =	srdreg.scid  }
0x9: {  	s3 =	sand.u32 $0x1, s3  }
0xa: {  	s4 =	ssub.s32 $0x2, s3  }
0xb: {  	s5 =	sshrl.u32 s4, $0x1  }
0xc: {  	s4 =	ssub.s32 s4, s5  }
0xd: {  	s4 =	smax.u32 s4, $0x1  }
0xe: {  	s3 =	smul.u32 $0x27100, s3;
	p1 =	sne.s32 s4, $0x1  }
.Ltmp1:
0xf: {  	s2 =	sadd.s32 $0x1F800, s2;
	(pc) =	sbr.rel @!p1 .LBB2_3-.Ltmp1, $4  }
0x10: {  	s2 =	sadd.s32 s2, s3;
	s3 =	simm.s32 $0x1  }
0x11: {  	[hbm4b:s2+s1] =	stream.linear.scatter [tilespmem:s1], [sflag:$0x1], $0x400, $0x38;
	[tilespmem:$0x400] =	vst v63  }
0x12: {  	_ =	swait.ge [sflag:s3], $0x400  }
0x13: {  	s4 =	sadd.s32 $0xFFFFFFFF, s4;
	[sflag:s3] =	ssyncset.done $0x0  }
.LBB2_2:
0x14: {  	p1 =	sne.s32 s4, $0x1;
	s4 =	sadd.s32 $0xFFFFFFFF, s4;
	[sflag:s3] =	ssyncadd.s32 $0xFFFFFC00  }
.Ltmp2:
0x15: {  	(pc) =	sbr.rel @p1 .LBB2_2-.Ltmp2, $4  }
0x16: {  	_ = 	snop  }
0x17: {  	[hbm4b:s2+s1] =	stream.linear.scatter [tilespmem:s1], [sflag:$0x1], $0x400, $0x38;
	[tilespmem:$0x400] =	vst v63  }
0x18: {  	_ =	swait.ge [sflag:s3], $0x400  }
0x19: {  	[sflag:s3] =	ssyncset.done $0x0  }
.LBB2_3:
0x1a: {  	[sflag:s3] =	ssyncadd.s32 $0xFFFFFC00  }
.LBB2_4:
0x1b: {  	_ =	sfence.sel $0x180000  }
0x1c: {  	[bflag:$0x0] =	sbarrier.arrive $0xFFFF  }
0x1d: {  	_ =	strace $0x90000047  }
0x1e: {  	s0 =	sadd.s32 @!p0 $0x100000, s0;
	[bflag:$0x2] =	sbarrier.arrive $0xFFFF  }
0x1f: {  	[sflag:s0] =	ssyncadd.tile.s32 @!p0 $0x1;
	_ =	shalt  }
.Lfunc_end2:
_tile_overlayer_lowered:
.L_overlay_start_2:
0x20: {  	(tag) =	ssettag $0x2  }
0x21: {  	s0 =	rddreg [dreg:$0x0];
	s2 =	stileid.u32  }
0x22: {  	s1 =	rddreg [dreg:$0x1];
	p0 =	sne.s32 s2, $0x0  }
0x23: {  	s3 =	rddreg [dreg:$0x2];
	[bflag:$0x3] =	sbarrier.arrive $0xFFFF;
	s2 =	simm.s32 @!p0 $0x1C01  }
0x24: {  	[timem:s3], [sflag:s2] =	dma.local @!p0 [hbm:s0], s1  }
0x25: {  	s0 =	simm.s32 @!p0 $0x1  }
0x26: {  	_ =	swait.ge @!p0 [sflag:s0], s1  }
0x27: {  	s1 =	ssub.s32 @!p0 $0x0, s1;
	[sflag:s0] =	ssyncset.done @!p0 $0x0  }
0x28: {  	[sflag:s0] =	ssyncadd.s32 @!p0 s1  }
0x29: {  	[bflag:$0x3] =	sbarrier.arrive $0xFFFF  }
0x2a: {  	_ =	shalt  }

</sc_bundles>
